<compile_context>
chip_gen: v7x
topology: tpu7x:2x2x1
jax: 0.10.2.dev20260603
libtpu: 0.0.44.dev20260713+nightly
codegen_flags: <defaults>
</compile_context>

<pallas_src>
import functools

import jax
import jax.numpy as jnp
from jax import lax
from jax.experimental import pallas as pl
from jax.experimental.pallas import tpu as pltpu
from jax.experimental.pallas import tpu_sc as plsc

B, N, D = 4, 4096, 2048
R = B * N
NC, NS = 2, 16
NW = NC * NS
RPW = R // NW
C = 16
NCH = RPW // C
NB = 3
NMAIN = (NCH // NB) * NB

_mesh = plsc.VectorSubcoreMesh(core_axis_name="c", subcore_axis_name="s")


@functools.partial(
    pl.kernel,
    mesh=_mesh,
    out_type=jax.ShapeDtypeStruct((R, D), jnp.float32),
    scratch_types=[
        pltpu.VMEM((C,), jnp.int32),
        pltpu.VMEM((C,), jnp.int32),
        pltpu.VMEM((C,), jnp.int32),
        pltpu.VMEM((C, D), jnp.float32),
        pltpu.VMEM((C, D), jnp.float32),
        pltpu.VMEM((C, D), jnp.float32),
        pltpu.SemaphoreType.DMA,
        pltpu.SemaphoreType.DMA,
        pltpu.SemaphoreType.DMA,
        pltpu.SemaphoreType.DMA,
        pltpu.SemaphoreType.DMA,
        pltpu.SemaphoreType.DMA,
    ],
)
def _flip_rows_sc(x_hbm, out_hbm, idx0, idx1, idx2, buf0, buf1, buf2,
                  gs0, gs1, gs2, ws0, ws1, ws2):
    idx = [idx0, idx1, idx2]
    buf = [buf0, buf1, buf2]
    gs = [gs0, gs1, gs2]
    ws = [ws0, ws1, ws2]

    wid = lax.axis_index("s") * NC + lax.axis_index("c")
    b = wid // (NW // B)
    blk = wid % (NW // B)
    out_base = b * N + blk * RPW
    src_top0 = b * N + (N - 1) - blk * RPW

    iota = lax.iota(jnp.int32, 16)

    def start_gather(nb, ci):
        idx[nb][pl.ds(0, 16)] = (src_top0 - ci * C) - iota
        pltpu.async_copy(x_hbm.at[idx[nb]], buf[nb], gs[nb])

    def wait_gather(nb):
        pltpu.make_async_copy(x_hbm.at[idx[nb]], buf[nb], gs[nb]).wait()

    def start_write(nb, ci):
        pltpu.async_copy(buf[nb], out_hbm.at[pl.ds(out_base + ci * C, C)], ws[nb])

    def wait_write(nb):
        pltpu.make_async_copy(buf[nb], out_hbm.at[pl.ds(out_base, C)], ws[nb]).wait()

    for nb in range(NB):
        start_gather(nb, nb)

    def outer(oi, _):
        for nb in range(NB):
            ci = oi * NB + nb

            def traced_step(nb=nb, ci=ci):
                wait_gather(nb)
                start_write(nb, ci)

                @pl.when(ci + NB < NCH)
                def _refill(nb=nb, ci=ci):
                    wait_write(nb)
                    start_gather(nb, ci + NB)

            traced_step()
        return 0

    lax.fori_loop(0, NMAIN // NB, outer, 0)

    for ci in range(NMAIN, NCH):
        nb = ci % NB
        wait_gather(nb)
        start_write(nb, ci)

    for nb in range(NB):
        wait_write(nb)


def kernel(x):
    out = _flip_rows_sc(x.reshape(R, D))
    return out.reshape(B, N, D)

# --- scband reference (transcript-rebuilt; emitter-appended) ---
"""Pipeline reference for scband-flip-tensor-30580167147580 (READ-ONLY COPY).

The authoritative reference and input builder live on the scoring server;
editing this copy changes nothing except your own understanding.
"""

import jax, jax.numpy as jnp
import numpy as np

DIM = -2

def setup_inputs(seed: int = 0) -> dict:
    key = jax.random.key(seed)
    x = jax.random.normal(key, (4, 4096, 2048), dtype=jnp.float32)
    return {"x": x}

def reference(x):
    # Faithful translation: build reversed index list, then index_select along dim
    n = x.shape[DIM]
    idx = jnp.arange(n - 1, -1, -1, dtype=jnp.int64)
    return jnp.take(x, idx, axis=DIM)

if __name__ == "__main__":
    import jax
    _d = setup_inputs()
    print(jax.jit(kernel)(*tuple(_d.values())))

</pallas_src>

<mosaic_0001>
#map = affine_map<(d0, d1) -> (0, 0)>
module attributes {stable_mosaic.version = 14 : i64} {
  func.func @_flip_rows_sc(%arg0: i32, %arg1: i32, %arg2: memref<16384x2048xf32, #tpu.memory_space<hbm>>, %arg3: memref<16384x2048xf32, #tpu.memory_space<hbm>>, %arg4: memref<16xi32, #tpu.memory_space<vmem>>, %arg5: memref<16xi32, #tpu.memory_space<vmem>>, %arg6: memref<16xi32, #tpu.memory_space<vmem>>, %arg7: memref<16x2048xf32, #tpu.memory_space<vmem>>, %arg8: memref<16x2048xf32, #tpu.memory_space<vmem>>, %arg9: memref<16x2048xf32, #tpu.memory_space<vmem>>, %arg10: memref<!tpu.dma_semaphore, #tpu.memory_space<semaphore_mem>>, %arg11: memref<!tpu.dma_semaphore, #tpu.memory_space<semaphore_mem>>, %arg12: memref<!tpu.dma_semaphore, #tpu.memory_space<semaphore_mem>>, %arg13: memref<!tpu.dma_semaphore, #tpu.memory_space<semaphore_mem>>, %arg14: memref<!tpu.dma_semaphore, #tpu.memory_space<semaphore_mem>>, %arg15: memref<!tpu.dma_semaphore, #tpu.memory_space<semaphore_mem>>) attributes {dimension_semantics = [#tpu.dimension_semantics<core_parallel>, #tpu.dimension_semantics<subcore_parallel>], iteration_bounds = array<i64: 2, 16>, scalar_prefetch = 0 : i64, scratch_operands = 12 : i64, tpu.core_type = #tpu.core_type<sc_vector_subcore>, window_params = [{transform_indices = #map}, {transform_indices = #map}]} {
    %mul3A = arith.constant 2 : i32
    %mul3A_0 = arith.muli %arg1, %mul3A : i32
    %add3A = arith.addi %mul3A_0, %arg0 : i32
    %jit3A = arith.constant 8 : i32
    %div3A = arith.divsi %add3A, %jit3A : i32
    %sign3A = arith.constant 0 : i32
    %sign3A_1 = arith.cmpi sgt, %add3A, %sign3A : i32
    %sign3A_2 = arith.extui %sign3A_1 : i1 to i32
    %sign3A_3 = arith.constant 0 : i32
    %sign3A_4 = arith.cmpi slt, %add3A, %sign3A_3 : i32
    %sign3A_5 = arith.extui %sign3A_4 : i1 to i32
    %sign3A_6 = arith.subi %sign3A_2, %sign3A_5 : i32
    %sign3A_7 = arith.constant 0 : i32
    %sign3A_8 = arith.cmpi sgt, %jit3A, %sign3A_7 : i32
    %sign3A_9 = arith.extui %sign3A_8 : i1 to i32
    %sign3A_10 = arith.constant 0 : i32
    %sign3A_11 = arith.cmpi slt, %jit3A, %sign3A_10 : i32
    %sign3A_12 = arith.extui %sign3A_11 : i1 to i32
    %sign3A_13 = arith.subi %sign3A_9, %sign3A_12 : i32
    %ne3A = arith.cmpi ne, %sign3A_6, %sign3A_13 : i32
    %rem3A = arith.remsi %add3A, %jit3A : i32
    %ne3A_14 = arith.constant 0 : i32
    %ne3A_15 = arith.cmpi ne, %rem3A, %ne3A_14 : i32
    %and3A = arith.andi %ne3A, %ne3A_15 : i1
    %sub3A = arith.constant 1 : i32
    %sub3A_16 = arith.subi %div3A, %sub3A : i32
    %select_n3A = arith.select %and3A, %sub3A_16, %div3A : i32
    %jit3A_17 = arith.constant 8 : i32
    %eq3A = arith.constant 0 : i32
    %eq3A_18 = arith.cmpi eq, %jit3A_17, %eq3A : i32
    %jit3A_19 = arith.constant 1 : i32
    %select_n3A_20 = arith.select %eq3A_18, %jit3A_19, %jit3A_17 : i32
    %rem3A_21 = arith.remsi %add3A, %select_n3A_20 : i32
    %ne3A_22 = arith.constant 0 : i32
    %ne3A_23 = arith.cmpi ne, %rem3A_21, %ne3A_22 : i32
    %lt3A = arith.constant 0 : i32
    %lt3A_24 = arith.cmpi slt, %rem3A_21, %lt3A : i32
    %lt3A_25 = arith.constant 0 : i32
    %lt3A_26 = arith.cmpi slt, %select_n3A_20, %lt3A_25 : i32
    %ne3A_27 = arith.xori %lt3A_24, %lt3A_26 : i1
    %and3A_28 = arith.andi %ne3A_27, %ne3A_23 : i1
    %add3A_29 = arith.addi %rem3A_21, %select_n3A_20 : i32
    %select_n3A_30 = arith.select %and3A_28, %add3A_29, %rem3A_21 : i32
    %mul3A_31 = arith.constant 4096 : i32
    %mul3A_32 = arith.muli %select_n3A, %mul3A_31 : i32
    %mul3A_33 = arith.constant 512 : i32
    %mul3A_34 = arith.muli %select_n3A_30, %mul3A_33 : i32
    %add3A_35 = arith.addi %mul3A_32, %mul3A_34 : i32
    %mul3A_36 = arith.constant 4096 : i32
    %mul3A_37 = arith.muli %select_n3A, %mul3A_36 : i32
    %add3A_38 = arith.constant 4095 : i32
    %add3A_39 = arith.addi %mul3A_37, %add3A_38 : i32
    %mul3A_40 = arith.constant 512 : i32
    %mul3A_41 = arith.muli %select_n3A_30, %mul3A_40 : i32
    %sub3A_42 = arith.subi %add3A_39, %mul3A_41 : i32
    %iota3A = tpu.iota {dimensions = array<i32: 0>} : vector<16xi32>
    %sub3A_43 = arith.constant 0 : i32
    %sub3A_44 = arith.subi %sub3A_42, %sub3A_43 : i32
    %sub3A_45 = vector.broadcast %sub3A_44 : i32 to vector<16xi32>
    %sub3A_46 = arith.subi %sub3A_45, %iota3A : vector<16xi32>
    %swap3A = arith.constant 0 : index
    %swap3A_47 = tpu.vector_load %arg4[%swap3A] {strides = array<i32>} : memref<16xi32, #tpu.memory_space<vmem>>, vector<16xi32>,
    %swap3A_48 = vector.shape_cast %swap3A_47 : vector<16xi32> to vector<16xi32>
    %swap3A_49 = vector.shape_cast %sub3A_46 : vector<16xi32> to vector<16xi32>
    tpu.vector_store %arg4[%swap3A], %swap3A_49 {strides = array<i32>} : memref<16xi32, #tpu.memory_space<vmem>>, vector<16xi32>,
    %dma_start3A = arith.constant 0 : i32
    %dma_start3A_50 = arith.constant 0 : i32
    %dma_start3A_51 = tpu.memref_slice %arg2[%dma_start3A, %dma_start3A_50] : memref<16384x2048xf32, #tpu.memory_space<hbm>> -> memref<16384x2048xf32, #tpu.memory_space<hbm>>
    tpu.enqueue_indirect_dma source(%dma_start3A_51 : memref<16384x2048xf32, #tpu.memory_space<hbm>>) target(%arg7 : memref<16x2048xf32, #tpu.memory_space<vmem>>) offsets(%arg4 : memref<16xi32, #tpu.memory_space<vmem>>) semaphore(%arg10 : memref<!tpu.dma_semaphore, #tpu.memory_space<semaphore_mem>>)
    %sub3A_52 = arith.constant 16 : i32
    %sub3A_53 = arith.subi %sub3A_42, %sub3A_52 : i32
    %sub3A_54 = vector.broadcast %sub3A_53 : i32 to vector<16xi32>
    %sub3A_55 = arith.subi %sub3A_54, %iota3A : vector<16xi32>
    %swap3A_56 = arith.constant 0 : index
    %swap3A_57 = tpu.vector_load %arg5[%swap3A_56] {strides = array<i32>} : memref<16xi32, #tpu.memory_space<vmem>>, vector<16xi32>,
    %swap3A_58 = vector.shape_cast %swap3A_57 : vector<16xi32> to vector<16xi32>
    %swap3A_59 = vector.shape_cast %sub3A_55 : vector<16xi32> to vector<16xi32>
    tpu.vector_store %arg5[%swap3A_56], %swap3A_59 {strides = array<i32>} : memref<16xi32, #tpu.memory_space<vmem>>, vector<16xi32>,
    %dma_start3A_60 = arith.constant 0 : i32
    %dma_start3A_61 = arith.constant 0 : i32
    %dma_start3A_62 = tpu.memref_slice %arg2[%dma_start3A_60, %dma_start3A_61] : memref<16384x2048xf32, #tpu.memory_space<hbm>> -> memref<16384x2048xf32, #tpu.memory_space<hbm>>
    tpu.enqueue_indirect_dma source(%dma_start3A_62 : memref<16384x2048xf32, #tpu.memory_space<hbm>>) target(%arg8 : memref<16x2048xf32, #tpu.memory_space<vmem>>) offsets(%arg5 : memref<16xi32, #tpu.memory_space<vmem>>) semaphore(%arg11 : memref<!tpu.dma_semaphore, #tpu.memory_space<semaphore_mem>>)
    %sub3A_63 = arith.constant 32 : i32
    %sub3A_64 = arith.subi %sub3A_42, %sub3A_63 : i32
    %sub3A_65 = vector.broadcast %sub3A_64 : i32 to vector<16xi32>
    %sub3A_66 = arith.subi %sub3A_65, %iota3A : vector<16xi32>
    %swap3A_67 = arith.constant 0 : index
    %swap3A_68 = tpu.vector_load %arg6[%swap3A_67] {strides = array<i32>} : memref<16xi32, #tpu.memory_space<vmem>>, vector<16xi32>,
    %swap3A_69 = vector.shape_cast %swap3A_68 : vector<16xi32> to vector<16xi32>
    %swap3A_70 = vector.shape_cast %sub3A_66 : vector<16xi32> to vector<16xi32>
    tpu.vector_store %arg6[%swap3A_67], %swap3A_70 {strides = array<i32>} : memref<16xi32, #tpu.memory_space<vmem>>, vector<16xi32>,
    %dma_start3A_71 = arith.constant 0 : i32
    %dma_start3A_72 = arith.constant 0 : i32
    %dma_start3A_73 = tpu.memref_slice %arg2[%dma_start3A_71, %dma_start3A_72] : memref<16384x2048xf32, #tpu.memory_space<hbm>> -> memref<16384x2048xf32, #tpu.memory_space<hbm>>
    tpu.enqueue_indirect_dma source(%dma_start3A_73 : memref<16384x2048xf32, #tpu.memory_space<hbm>>) target(%arg9 : memref<16x2048xf32, #tpu.memory_space<vmem>>) offsets(%arg6 : memref<16xi32, #tpu.memory_space<vmem>>) semaphore(%arg12 : memref<!tpu.dma_semaphore, #tpu.memory_space<semaphore_mem>>)
    %scan3A = arith.constant 0 : i32
    %scan3A_74 = arith.constant 0 : i32
    %scan3A_75 = arith.constant 10 : i32
    %scan3A_76 = arith.addi %scan3A_74, %scan3A_75 : i32
    %scan3A_77 = arith.constant 1 : i32
    %scan3A_78 = scf.for %scan3A_109 = %scan3A_74 to %scan3A_76 step %scan3A_77 iter_args(%scan3A_110 = %scan3A) -> (i32)  : i32 {
      %mul3A_111 = arith.constant 3 : i32
      %mul3A_112 = arith.muli %scan3A_109, %mul3A_111 : i32
      %add3A_113 = arith.constant 0 : i32
      %add3A_114 = arith.addi %mul3A_112, %add3A_113 : i32
      %dma_wait3A_115 = arith.constant 0 : i32
      %dma_wait3A_116 = arith.constant 0 : i32
      %dma_wait3A_117 = tpu.memref_slice %arg2[%dma_wait3A_115, %dma_wait3A_116] : memref<16384x2048xf32, #tpu.memory_space<hbm>> -> memref<16384x2048xf32, #tpu.memory_space<hbm>>
      tpu.wait_indirect_dma semaphore(%arg10 : memref<!tpu.dma_semaphore, #tpu.memory_space<semaphore_mem>>) src(%dma_wait3A_117 : memref<16384x2048xf32, #tpu.memory_space<hbm>>) dst(%arg7 : memref<16x2048xf32, #tpu.memory_space<vmem>>)
      %mul3A_118 = arith.constant 16 : i32
      %mul3A_119 = arith.muli %add3A_114, %mul3A_118 : i32
      %add3A_120 = arith.addi %add3A_35, %mul3A_119 : i32
      %dma_start3A_121 = arith.constant 0 : i32
      %dma_start3A_122 = tpu.memref_slice %arg3[%add3A_120, %dma_start3A_121] : memref<16384x2048xf32, #tpu.memory_space<hbm>> -> memref<16x2048xf32, #tpu.memory_space<hbm>>
      %dma_start3A_123 = arith.constant 0 : i32
      %dma_start3A_124 = tpu.memref_slice %arg3[%add3A_120, %dma_start3A_123] : memref<16384x2048xf32, #tpu.memory_space<hbm>> -> memref<16x2048xf32, #tpu.memory_space<hbm>>
      tpu.enqueue_dma source(%arg7 : memref<16x2048xf32, #tpu.memory_space<vmem>>) target(%dma_start3A_124 : memref<16x2048xf32, #tpu.memory_space<hbm>>) target_semaphore(%arg13 : memref<!tpu.dma_semaphore, #tpu.memory_space<semaphore_mem>>)
      %add3A_125 = arith.constant 3 : i32
      %add3A_126 = arith.addi %add3A_114, %add3A_125 : i32
      %lt3A_127 = arith.constant 32 : i32
      %lt3A_128 = arith.cmpi slt, %add3A_126, %lt3A_127 : i32
      %convert_element_type3A = arith.extui %lt3A_128 : i1 to i32
      %cond3A = arith.constant 0 : i32
      %cond3A_129 = arith.cmpi ne, %convert_element_type3A, %cond3A : i32
      scf.if %cond3A_129 {
        %dma_wait3A_173 = arith.constant 0 : i32
        %dma_wait3A_174 = tpu.memref_slice %arg3[%add3A_35, %dma_wait3A_173] : memref<16384x2048xf32, #tpu.memory_space<hbm>> -> memref<16x2048xf32, #tpu.memory_space<hbm>>
        %dma_wait3A_175 = arith.constant 0 : i32
        %dma_wait3A_176 = tpu.memref_slice %arg3[%add3A_35, %dma_wait3A_175] : memref<16384x2048xf32, #tpu.memory_space<hbm>> -> memref<16x2048xf32, #tpu.memory_space<hbm>>
        tpu.wait_dma2 semaphore(%arg13 : memref<!tpu.dma_semaphore, #tpu.memory_space<semaphore_mem>>) src(%arg7 : memref<16x2048xf32, #tpu.memory_space<vmem>>) dst(%dma_wait3A_176 : memref<16x2048xf32, #tpu.memory_space<hbm>>)
        %add3A_177 = arith.constant 3 : i32
        %add3A_178 = arith.addi %add3A_114, %add3A_177 : i32
        %mul3A_179 = arith.constant 16 : i32
        %mul3A_180 = arith.muli %add3A_178, %mul3A_179 : i32
        %sub3A_181 = arith.subi %sub3A_42, %mul3A_180 : i32
        %sub3A_182 = vector.broadcast %sub3A_181 : i32 to vector<16xi32>
        %sub3A_183 = arith.subi %sub3A_182, %iota3A : vector<16xi32>
        %swap3A_184 = arith.constant 0 : index
        %swap3A_185 = tpu.vector_load %arg4[%swap3A_184] {strides = array<i32>} : memref<16xi32, #tpu.memory_space<vmem>>, vector<16xi32>,
        %swap3A_186 = vector.shape_cast %swap3A_185 : vector<16xi32> to vector<16xi32>
        %swap3A_187 = vector.shape_cast %sub3A_183 : vector<16xi32> to vector<16xi32>
        tpu.vector_store %arg4[%swap3A_184], %swap3A_187 {strides = array<i32>} : memref<16xi32, #tpu.memory_space<vmem>>, vector<16xi32>,
        %dma_start3A_188 = arith.constant 0 : i32
        %dma_start3A_189 = arith.constant 0 : i32
        %dma_start3A_190 = tpu.memref_slice %arg2[%dma_start3A_188, %dma_start3A_189] : memref<16384x2048xf32, #tpu.memory_space<hbm>> -> memref<16384x2048xf32, #tpu.memory_space<hbm>>
        tpu.enqueue_indirect_dma source(%dma_start3A_190 : memref<16384x2048xf32, #tpu.memory_space<hbm>>) target(%arg7 : memref<16x2048xf32, #tpu.memory_space<vmem>>) offsets(%arg4 : memref<16xi32, #tpu.memory_space<vmem>>) semaphore(%arg10 : memref<!tpu.dma_semaphore, #tpu.memory_space<semaphore_mem>>)
      } else {
      }
      %mul3A_130 = arith.constant 3 : i32
      %mul3A_131 = arith.muli %scan3A_109, %mul3A_130 : i32
      %add3A_132 = arith.constant 1 : i32
      %add3A_133 = arith.addi %mul3A_131, %add3A_132 : i32
      %dma_wait3A_134 = arith.constant 0 : i32
      %dma_wait3A_135 = arith.constant 0 : i32
      %dma_wait3A_136 = tpu.memref_slice %arg2[%dma_wait3A_134, %dma_wait3A_135] : memref<16384x2048xf32, #tpu.memory_space<hbm>> -> memref<16384x2048xf32, #tpu.memory_space<hbm>>
      tpu.wait_indirect_dma semaphore(%arg11 : memref<!tpu.dma_semaphore, #tpu.memory_space<semaphore_mem>>) src(%dma_wait3A_136 : memref<16384x2048xf32, #tpu.memory_space<hbm>>) dst(%arg8 : memref<16x2048xf32, #tpu.memory_space<vmem>>)
      %mul3A_137 = arith.constant 16 : i32
      %mul3A_138 = arith.muli %add3A_133, %mul3A_137 : i32
      %add3A_139 = arith.addi %add3A_35, %mul3A_138 : i32
      %dma_start3A_140 = arith.constant 0 : i32
      %dma_start3A_141 = tpu.memref_slice %arg3[%add3A_139, %dma_start3A_140] : memref<16384x2048xf32, #tpu.memory_space<hbm>> -> memref<16x2048xf32, #tpu.memory_space<hbm>>
      %dma_start3A_142 = arith.constant 0 : i32
      %dma_start3A_143 = tpu.memref_slice %arg3[%add3A_139, %dma_start3A_142] : memref<16384x2048xf32, #tpu.memory_space<hbm>> -> memref<16x2048xf32, #tpu.memory_space<hbm>>
      tpu.enqueue_dma source(%arg8 : memref<16x2048xf32, #tpu.memory_space<vmem>>) target(%dma_start3A_143 : memref<16x2048xf32, #tpu.memory_space<hbm>>) target_semaphore(%arg14 : memref<!tpu.dma_semaphore, #tpu.memory_space<semaphore_mem>>)
      %add3A_144 = arith.constant 3 : i32
      %add3A_145 = arith.addi %add3A_133, %add3A_144 : i32
      %lt3A_146 = arith.constant 32 : i32
      %lt3A_147 = arith.cmpi slt, %add3A_145, %lt3A_146 : i32
      %convert_element_type3A_148 = arith.extui %lt3A_147 : i1 to i32
      %cond3A_149 = arith.constant 0 : i32
      %cond3A_150 = arith.cmpi ne, %convert_element_type3A_148, %cond3A_149 : i32
      scf.if %cond3A_150 {
        %dma_wait3A_173 = arith.constant 0 : i32
        %dma_wait3A_174 = tpu.memref_slice %arg3[%add3A_35, %dma_wait3A_173] : memref<16384x2048xf32, #tpu.memory_space<hbm>> -> memref<16x2048xf32, #tpu.memory_space<hbm>>
        %dma_wait3A_175 = arith.constant 0 : i32
        %dma_wait3A_176 = tpu.memref_slice %arg3[%add3A_35, %dma_wait3A_175] : memref<16384x2048xf32, #tpu.memory_space<hbm>> -> memref<16x2048xf32, #tpu.memory_space<hbm>>
        tpu.wait_dma2 semaphore(%arg14 : memref<!tpu.dma_semaphore, #tpu.memory_space<semaphore_mem>>) src(%arg8 : memref<16x2048xf32, #tpu.memory_space<vmem>>) dst(%dma_wait3A_176 : memref<16x2048xf32, #tpu.memory_space<hbm>>)
        %add3A_177 = arith.constant 3 : i32
        %add3A_178 = arith.addi %add3A_133, %add3A_177 : i32
        %mul3A_179 = arith.constant 16 : i32
        %mul3A_180 = arith.muli %add3A_178, %mul3A_179 : i32
        %sub3A_181 = arith.subi %sub3A_42, %mul3A_180 : i32
        %sub3A_182 = vector.broadcast %sub3A_181 : i32 to vector<16xi32>
        %sub3A_183 = arith.subi %sub3A_182, %iota3A : vector<16xi32>
        %swap3A_184 = arith.constant 0 : index
        %swap3A_185 = tpu.vector_load %arg5[%swap3A_184] {strides = array<i32>} : memref<16xi32, #tpu.memory_space<vmem>>, vector<16xi32>,
        %swap3A_186 = vector.shape_cast %swap3A_185 : vector<16xi32> to vector<16xi32>
        %swap3A_187 = vector.shape_cast %sub3A_183 : vector<16xi32> to vector<16xi32>
        tpu.vector_store %arg5[%swap3A_184], %swap3A_187 {strides = array<i32>} : memref<16xi32, #tpu.memory_space<vmem>>, vector<16xi32>,
        %dma_start3A_188 = arith.constant 0 : i32
        %dma_start3A_189 = arith.constant 0 : i32
        %dma_start3A_190 = tpu.memref_slice %arg2[%dma_start3A_188, %dma_start3A_189] : memref<16384x2048xf32, #tpu.memory_space<hbm>> -> memref<16384x2048xf32, #tpu.memory_space<hbm>>
        tpu.enqueue_indirect_dma source(%dma_start3A_190 : memref<16384x2048xf32, #tpu.memory_space<hbm>>) target(%arg8 : memref<16x2048xf32, #tpu.memory_space<vmem>>) offsets(%arg5 : memref<16xi32, #tpu.memory_space<vmem>>) semaphore(%arg11 : memref<!tpu.dma_semaphore, #tpu.memory_space<semaphore_mem>>)
      } else {
      }
      %mul3A_151 = arith.constant 3 : i32
      %mul3A_152 = arith.muli %scan3A_109, %mul3A_151 : i32
      %add3A_153 = arith.constant 2 : i32
      %add3A_154 = arith.addi %mul3A_152, %add3A_153 : i32
      %dma_wait3A_155 = arith.constant 0 : i32
      %dma_wait3A_156 = arith.constant 0 : i32
      %dma_wait3A_157 = tpu.memref_slice %arg2[%dma_wait3A_155, %dma_wait3A_156] : memref<16384x2048xf32, #tpu.memory_space<hbm>> -> memref<16384x2048xf32, #tpu.memory_space<hbm>>
      tpu.wait_indirect_dma semaphore(%arg12 : memref<!tpu.dma_semaphore, #tpu.memory_space<semaphore_mem>>) src(%dma_wait3A_157 : memref<16384x2048xf32, #tpu.memory_space<hbm>>) dst(%arg9 : memref<16x2048xf32, #tpu.memory_space<vmem>>)
      %mul3A_158 = arith.constant 16 : i32
      %mul3A_159 = arith.muli %add3A_154, %mul3A_158 : i32
      %add3A_160 = arith.addi %add3A_35, %mul3A_159 : i32
      %dma_start3A_161 = arith.constant 0 : i32
      %dma_start3A_162 = tpu.memref_slice %arg3[%add3A_160, %dma_start3A_161] : memref<16384x2048xf32, #tpu.memory_space<hbm>> -> memref<16x2048xf32, #tpu.memory_space<hbm>>
      %dma_start3A_163 = arith.constant 0 : i32
      %dma_start3A_164 = tpu.memref_slice %arg3[%add3A_160, %dma_start3A_163] : memref<16384x2048xf32, #tpu.memory_space<hbm>> -> memref<16x2048xf32, #tpu.memory_space<hbm>>
      tpu.enqueue_dma source(%arg9 : memref<16x2048xf32, #tpu.memory_space<vmem>>) target(%dma_start3A_164 : memref<16x2048xf32, #tpu.memory_space<hbm>>) target_semaphore(%arg15 : memref<!tpu.dma_semaphore, #tpu.memory_space<semaphore_mem>>)
      %add3A_165 = arith.constant 3 : i32
      %add3A_166 = arith.addi %add3A_154, %add3A_165 : i32
      %lt3A_167 = arith.constant 32 : i32
      %lt3A_168 = arith.cmpi slt, %add3A_166, %lt3A_167 : i32
      %convert_element_type3A_169 = arith.extui %lt3A_168 : i1 to i32
      %cond3A_170 = arith.constant 0 : i32
      %cond3A_171 = arith.cmpi ne, %convert_element_type3A_169, %cond3A_170 : i32
      scf.if %cond3A_171 {
        %dma_wait3A_173 = arith.constant 0 : i32
        %dma_wait3A_174 = tpu.memref_slice %arg3[%add3A_35, %dma_wait3A_173] : memref<16384x2048xf32, #tpu.memory_space<hbm>> -> memref<16x2048xf32, #tpu.memory_space<hbm>>
        %dma_wait3A_175 = arith.constant 0 : i32
        %dma_wait3A_176 = tpu.memref_slice %arg3[%add3A_35, %dma_wait3A_175] : memref<16384x2048xf32, #tpu.memory_space<hbm>> -> memref<16x2048xf32, #tpu.memory_space<hbm>>
        tpu.wait_dma2 semaphore(%arg15 : memref<!tpu.dma_semaphore, #tpu.memory_space<semaphore_mem>>) src(%arg9 : memref<16x2048xf32, #tpu.memory_space<vmem>>) dst(%dma_wait3A_176 : memref<16x2048xf32, #tpu.memory_space<hbm>>)
        %add3A_177 = arith.constant 3 : i32
        %add3A_178 = arith.addi %add3A_154, %add3A_177 : i32
        %mul3A_179 = arith.constant 16 : i32
        %mul3A_180 = arith.muli %add3A_178, %mul3A_179 : i32
        %sub3A_181 = arith.subi %sub3A_42, %mul3A_180 : i32
        %sub3A_182 = vector.broadcast %sub3A_181 : i32 to vector<16xi32>
        %sub3A_183 = arith.subi %sub3A_182, %iota3A : vector<16xi32>
        %swap3A_184 = arith.constant 0 : index
        %swap3A_185 = tpu.vector_load %arg6[%swap3A_184] {strides = array<i32>} : memref<16xi32, #tpu.memory_space<vmem>>, vector<16xi32>,
        %swap3A_186 = vector.shape_cast %swap3A_185 : vector<16xi32> to vector<16xi32>
        %swap3A_187 = vector.shape_cast %sub3A_183 : vector<16xi32> to vector<16xi32>
        tpu.vector_store %arg6[%swap3A_184], %swap3A_187 {strides = array<i32>} : memref<16xi32, #tpu.memory_space<vmem>>, vector<16xi32>,
        %dma_start3A_188 = arith.constant 0 : i32
        %dma_start3A_189 = arith.constant 0 : i32
        %dma_start3A_190 = tpu.memref_slice %arg2[%dma_start3A_188, %dma_start3A_189] : memref<16384x2048xf32, #tpu.memory_space<hbm>> -> memref<16384x2048xf32, #tpu.memory_space<hbm>>
        tpu.enqueue_indirect_dma source(%dma_start3A_190 : memref<16384x2048xf32, #tpu.memory_space<hbm>>) target(%arg9 : memref<16x2048xf32, #tpu.memory_space<vmem>>) offsets(%arg6 : memref<16xi32, #tpu.memory_space<vmem>>) semaphore(%arg12 : memref<!tpu.dma_semaphore, #tpu.memory_space<semaphore_mem>>)
      } else {
      }
      %scan3A_172 = arith.constant 0 : i32
      scf.yield %scan3A_172 : i32
    }
    %scan3A_79 = arith.constant 10 : i32
    %dma_wait3A = arith.constant 0 : i32
    %dma_wait3A_80 = arith.constant 0 : i32
    %dma_wait3A_81 = tpu.memref_slice %arg2[%dma_wait3A, %dma_wait3A_80] : memref<16384x2048xf32, #tpu.memory_space<hbm>> -> memref<16384x2048xf32, #tpu.memory_space<hbm>>
    tpu.wait_indirect_dma semaphore(%arg10 : memref<!tpu.dma_semaphore, #tpu.memory_space<semaphore_mem>>) src(%dma_wait3A_81 : memref<16384x2048xf32, #tpu.memory_space<hbm>>) dst(%arg7 : memref<16x2048xf32, #tpu.memory_space<vmem>>)
    %add3A_82 = arith.constant 480 : i32
    %add3A_83 = arith.addi %add3A_35, %add3A_82 : i32
    %dma_start3A_84 = arith.constant 0 : i32
    %dma_start3A_85 = tpu.memref_slice %arg3[%add3A_83, %dma_start3A_84] : memref<16384x2048xf32, #tpu.memory_space<hbm>> -> memref<16x2048xf32, #tpu.memory_space<hbm>>
    %dma_start3A_86 = arith.constant 0 : i32
    %dma_start3A_87 = tpu.memref_slice %arg3[%add3A_83, %dma_start3A_86] : memref<16384x2048xf32, #tpu.memory_space<hbm>> -> memref<16x2048xf32, #tpu.memory_space<hbm>>
    tpu.enqueue_dma source(%arg7 : memref<16x2048xf32, #tpu.memory_space<vmem>>) target(%dma_start3A_87 : memref<16x2048xf32, #tpu.memory_space<hbm>>) target_semaphore(%arg13 : memref<!tpu.dma_semaphore, #tpu.memory_space<semaphore_mem>>)
    %dma_wait3A_88 = arith.constant 0 : i32
    %dma_wait3A_89 = arith.constant 0 : i32
    %dma_wait3A_90 = tpu.memref_slice %arg2[%dma_wait3A_88, %dma_wait3A_89] : memref<16384x2048xf32, #tpu.memory_space<hbm>> -> memref<16384x2048xf32, #tpu.memory_space<hbm>>
    tpu.wait_indirect_dma semaphore(%arg11 : memref<!tpu.dma_semaphore, #tpu.memory_space<semaphore_mem>>) src(%dma_wait3A_90 : memref<16384x2048xf32, #tpu.memory_space<hbm>>) dst(%arg8 : memref<16x2048xf32, #tpu.memory_space<vmem>>)
    %add3A_91 = arith.constant 496 : i32
    %add3A_92 = arith.addi %add3A_35, %add3A_91 : i32
    %dma_start3A_93 = arith.constant 0 : i32
    %dma_start3A_94 = tpu.memref_slice %arg3[%add3A_92, %dma_start3A_93] : memref<16384x2048xf32, #tpu.memory_space<hbm>> -> memref<16x2048xf32, #tpu.memory_space<hbm>>
    %dma_start3A_95 = arith.constant 0 : i32
    %dma_start3A_96 = tpu.memref_slice %arg3[%add3A_92, %dma_start3A_95] : memref<16384x2048xf32, #tpu.memory_space<hbm>> -> memref<16x2048xf32, #tpu.memory_space<hbm>>
    tpu.enqueue_dma source(%arg8 : memref<16x2048xf32, #tpu.memory_space<vmem>>) target(%dma_start3A_96 : memref<16x2048xf32, #tpu.memory_space<hbm>>) target_semaphore(%arg14 : memref<!tpu.dma_semaphore, #tpu.memory_space<semaphore_mem>>)
    %dma_wait3A_97 = arith.constant 0 : i32
    %dma_wait3A_98 = tpu.memref_slice %arg3[%add3A_35, %dma_wait3A_97] : memref<16384x2048xf32, #tpu.memory_space<hbm>> -> memref<16x2048xf32, #tpu.memory_space<hbm>>
    %dma_wait3A_99 = arith.constant 0 : i32
    %dma_wait3A_100 = tpu.memref_slice %arg3[%add3A_35, %dma_wait3A_99] : memref<16384x2048xf32, #tpu.memory_space<hbm>> -> memref<16x2048xf32, #tpu.memory_space<hbm>>
    tpu.wait_dma2 semaphore(%arg13 : memref<!tpu.dma_semaphore, #tpu.memory_space<semaphore_mem>>) src(%arg7 : memref<16x2048xf32, #tpu.memory_space<vmem>>) dst(%dma_wait3A_100 : memref<16x2048xf32, #tpu.memory_space<hbm>>)
    %dma_wait3A_101 = arith.constant 0 : i32
    %dma_wait3A_102 = tpu.memref_slice %arg3[%add3A_35, %dma_wait3A_101] : memref<16384x2048xf32, #tpu.memory_space<hbm>> -> memref<16x2048xf32, #tpu.memory_space<hbm>>
    %dma_wait3A_103 = arith.constant 0 : i32
    %dma_wait3A_104 = tpu.memref_slice %arg3[%add3A_35, %dma_wait3A_103] : memref<16384x2048xf32, #tpu.memory_space<hbm>> -> memref<16x2048xf32, #tpu.memory_space<hbm>>
    tpu.wait_dma2 semaphore(%arg14 : memref<!tpu.dma_semaphore, #tpu.memory_space<semaphore_mem>>) src(%arg8 : memref<16x2048xf32, #tpu.memory_space<vmem>>) dst(%dma_wait3A_104 : memref<16x2048xf32, #tpu.memory_space<hbm>>)
    %dma_wait3A_105 = arith.constant 0 : i32
    %dma_wait3A_106 = tpu.memref_slice %arg3[%add3A_35, %dma_wait3A_105] : memref<16384x2048xf32, #tpu.memory_space<hbm>> -> memref<16x2048xf32, #tpu.memory_space<hbm>>
    %dma_wait3A_107 = arith.constant 0 : i32
    %dma_wait3A_108 = tpu.memref_slice %arg3[%add3A_35, %dma_wait3A_107] : memref<16384x2048xf32, #tpu.memory_space<hbm>> -> memref<16x2048xf32, #tpu.memory_space<hbm>>
    tpu.wait_dma2 semaphore(%arg15 : memref<!tpu.dma_semaphore, #tpu.memory_space<semaphore_mem>>) src(%arg9 : memref<16x2048xf32, #tpu.memory_space<vmem>>) dst(%dma_wait3A_108 : memref<16x2048xf32, #tpu.memory_space<hbm>>)
    return
  }
}

</mosaic_0001>

<sc_bundles>
// kernel: kernel.3.cloned.1.call-start
scs
__scs_entry_jumppad:
0x0: {  	(pc) =	sbr.rel $0x88, $3  }
0x1: {  	(tag) =	ssettag $0x0;
	lr =	simm.s32 $0x1  }
0x2: {  	[smem:$0x3FA0] =	sst lr;
	_ =	strace $0xD0000000  }
0x3: {  	_ = 	snop  }
0x4: {  	_ = 	snop  }
0x5: {  	_ = 	snop  }
0x6: {  	_ = 	snop  }
0x7: {  	_ = 	snop  }
__scs_overlays_trampoline_lowered:
0x8: {  	[smem:$0x3FAF] =	sst s0  }
0x9: {  	[smem:$0x3FB0] =	sst s1  }
0xa: {  	[smem:$0x3FB1] =	sst s2  }
0xb: {  	[smem:$0x3FB2] =	sst s3  }
0xc: {  	[smem:$0x3FB3] =	sst s4  }
0xd: {  	[smem:$0x3FB4] =	sst s5  }
0xe: {  	[smem:$0x3FB5] =	sst s6  }
0xf: {  	[smem:$0x3FB6] =	sst s7  }
0x10: {  	[smem:$0x3FB7] =	sst s8  }
0x11: {  	[smem:$0x3FB8] =	sst s9;
	s0 =	simm.s32 @!p0 $0x0  }
0x12: {  	s1 =	sld [smem:$0x3F9E];
	s0 =	simm.s32 @p0 $0x1  }
0x13: {  	[smem:$0x3FB9] =	sst s0;
	s0 =	simm.s32 @!p1 $0x0  }
0x14: {  	s2 =	sld [smem:$0x3F9D];
	s0 =	simm.s32 @p1 $0x1  }
0x15: {  	[smem:$0x3FBA] =	sst s0;
	s0 =	simm.s32 @!p2 $0x0  }
0x16: {  	s3 =	sld [smem:$0x3FDB];
	s0 =	simm.s32 @p2 $0x1  }
0x17: {  	s4 =	simm.s32 $0x1BF5;
	[smem:$0x3FBC] =	sst s0  }
0x18: {  	s0 =	sld [smem:$0x3F9F];
	_ =	swait.ge [sflag:s4], $0x0  }
0x19: {  	s7 =	sld [smem:$0x3FA0]  }
0x1a: {  	s8 =	sadd.s32 $0xFFFFE003, lr  }
0x1b: {  	s9 =	sadd.s32 $0xFFFFFEF7, lr;
	s5 =	simm.s32 $0xFFFFFFFF;
	p2 =	slt.u32 s8, $0xFFFFF086  }
0x1c: {  	p1 =	slt.u32 s9, $0xF7A;
	s5 =	simm.s32 @!p2 $0x0  }
0x1d: {  	s5 =	simm.s32 @p1 $0x1;
	p0 =	seq.s32 s7, s2  }
0x1e: {  	s7 =	smul.u32 @!p0 $0xF7A, s2;
	p2 =	seq.s32 @!p0 s5, $0x0  }
0x1f: {  	s9 =	smul.u32 $0xF7A, s1;
	s8 =	simm.s32 @!p0 $0x1BF5;
	p2 =	por !p2, p0  }
0x20: {  	[sflag:s8] =	ssyncset.s32 @!p0 $0xFFFFF086;
	s6 =	sadd.s32 @!p0 s3, s7;
	s7 =	simm.s32 @!p0 $0x108  }
0x21: {  	s3 =	sadd.s32 s3, s9;
	s6 =	sadd.s32 @!p0 $0x88, s6;
	s7 =	simm.s32 @p2 $0x1082  }
0x22: {  	[simem:s7], [sflag:s8] =	dma.local @!p0 [hbm:s6], $0xF7A  }
0x23: {  	s9 =	sor.u32 $0xD0000000, s2;
	s6 =	simm.s32 $0x108;
	_ =	swait.ge @!p0 [sflag:s8], $0x0  }
0x24: {  	s3 =	sadd.s32 $0x88, s3;
	s6 =	simm.s32 @!p1 $0x1082;
	[sflag:s4] =	ssyncset.s32 $0xFFFFF086  }
0x25: {  	[simem:s6], [sflag:s4] =	dma.local [hbm:s3], $0xF7A  }
0x26: {  	[smem:$0x3FA0] =	sst s1;
	(tag) =	ssettag s2;
	_ =	strace s9  }
0x27: {  	s1 =	sld [smem:$0x3FB0]  }
0x28: {  	s2 =	sld [smem:$0x3FB1]  }
0x29: {  	s4 =	sld [smem:$0x3FB3]  }
0x2a: {  	p0 =	seq.s32 s5, $0x0;
	s5 =	sld [smem:$0x3FB4]  }
0x2b: {  	s6 =	sld [smem:$0x3FB5]  }
0x2c: {  	s7 =	sld [smem:$0x3FB6]  }
0x2d: {  	s3 =	simm.s32 $0x108;
	s8 =	sld [smem:$0x3FB7]  }
0x2e: {  	s3 =	simm.s32 @!p0 $0x1082;
	s9 =	sld [smem:$0x3FB8]  }
0x2f: {  	lr =	sadd.s32 s0, s3;
	s0 =	sld [smem:$0x3FAF]  }
0x30: {  	s3 =	sld [smem:$0x3FB2]  }
0x31: {  	[smem:$0x3FBB] =	sst s10  }
0x32: {  	s10 =	sld [smem:$0x3FB9];
	_ =	sdelay $0x3  }
0x33: {  	p0 =	seq.s32 s10, $0x1;
	s10 =	sld [smem:$0x3FBB];
	_ =	sdelay $0x3  }
0x34: {  	[smem:$0x3FBB] =	sst s10  }
0x35: {  	s10 =	sld [smem:$0x3FBA];
	_ =	sdelay $0x3  }
0x36: {  	p1 =	seq.s32 s10, $0x1;
	s10 =	sld [smem:$0x3FBB];
	_ =	sdelay $0x3  }
0x37: {  	[smem:$0x3FBB] =	sst s10  }
0x38: {  	s10 =	sld [smem:$0x3FBC]  }
0x39: {  	_ = 	snop;
	(pc) =	sbr.ind lr, $3  }
0x3a: {  	_ = 	snop  }
0x3b: {  	_ = 	snop  }
0x3c: {  	p2 =	seq.s32 s10, $0x1;
	s10 =	sld [smem:$0x3FBB]  }
0x3d: {  	_ =	shalt  }
0x3e: {  	_ =	shalt  }
0x3f: {  	_ =	shalt  }
0x40: {  	_ =	shalt  }
0x41: {  	_ =	shalt  }
0x42: {  	_ =	shalt  }
0x43: {  	_ =	shalt  }
0x44: {  	_ =	shalt  }
0x45: {  	_ =	shalt  }
0x46: {  	_ =	shalt  }
0x47: {  	_ =	shalt  }
0x48: {  	_ =	shalt  }
0x49: {  	_ =	shalt  }
0x4a: {  	_ =	shalt  }
0x4b: {  	_ =	shalt  }
0x4c: {  	_ =	shalt  }
0x4d: {  	_ =	shalt  }
0x4e: {  	_ =	shalt  }
0x4f: {  	_ =	shalt  }
0x50: {  	_ =	shalt  }
0x51: {  	_ =	shalt  }
0x52: {  	_ =	shalt  }
0x53: {  	_ =	shalt  }
0x54: {  	_ =	shalt  }
0x55: {  	_ =	shalt  }
0x56: {  	_ =	shalt  }
0x57: {  	_ =	shalt  }
0x58: {  	_ =	shalt  }
0x59: {  	_ =	shalt  }
0x5a: {  	_ =	shalt  }
0x5b: {  	_ =	shalt  }
0x5c: {  	_ =	shalt  }
0x5d: {  	_ =	shalt  }
0x5e: {  	_ =	shalt  }
0x5f: {  	_ =	shalt  }
0x60: {  	_ =	shalt  }
0x61: {  	_ =	shalt  }
0x62: {  	_ =	shalt  }
0x63: {  	_ =	shalt  }
0x64: {  	_ =	shalt  }
0x65: {  	_ =	shalt  }
0x66: {  	_ =	shalt  }
0x67: {  	_ =	shalt  }
0x68: {  	_ =	shalt  }
0x69: {  	_ =	shalt  }
0x6a: {  	_ =	shalt  }
0x6b: {  	_ =	shalt  }
0x6c: {  	_ =	shalt  }
0x6d: {  	_ =	shalt  }
0x6e: {  	_ =	shalt  }
0x6f: {  	_ =	shalt  }
0x70: {  	_ =	shalt  }
0x71: {  	_ =	shalt  }
0x72: {  	_ =	shalt  }
0x73: {  	_ =	shalt  }
0x74: {  	_ =	shalt  }
0x75: {  	_ =	shalt  }
0x76: {  	_ =	shalt  }
0x77: {  	_ =	shalt  }
0x78: {  	_ =	shalt  }
0x79: {  	_ =	shalt  }
0x7a: {  	_ =	shalt  }
0x7b: {  	_ =	shalt  }
0x7c: {  	_ =	shalt  }
0x7d: {  	_ =	shalt  }
0x7e: {  	_ =	shalt  }
0x7f: {  	_ =	shalt  }
0x80: {  	_ =	shalt  }
0x81: {  	_ =	shalt  }
0x82: {  	_ =	shalt  }
0x83: {  	_ =	shalt  }
0x84: {  	_ =	shalt  }
0x85: {  	_ =	shalt  }
0x86: {  	_ =	shalt  }
0x87: {  	_ =	shalt  }
.Lfunc_end0:
.L_simem_size_0:
called_computation_lowered:
.L_overlay_start_0:
0x88: {  	s2 =	sld [smem:$0x3FD9]  }
0x89: {  	s3 =	sld [smem:$0x3FFE];
	_ =	sdelay $0x1  }
0x8a: {  	s1 =	srdreg.scid  }
0x8b: {  	s0 =	sand.u32 $0x1, s1  }
0x8c: {  	s18 =	sshll.u32 s0, $0xA;
	s2 =	sadd.s32 s3, s2  }
0x8d: {  	s2 =	sadd.s32 s2, s18  }
0x8e: {  	[smem:$0x3FC7] =	sst s2  }
0x8f: {  	_ = 	snop  }
0x90: {  	s2 =	sld [smem:$0x3FC9]  }
0x91: {  	s19 =	sld [smem:$0x3FD0];
	(tm) =	ssettm $0x1  }
0x92: {  	s4 =	sld [smem:$0x3FFB];
	_ =	sdelay $0x3  }
0x93: {  	_ =	strace s4  }
0x94: {  	s4 =	sld [smem:$0x3FFC];
	_ =	sdelay $0x3  }
0x95: {  	_ =	strace s4  }
0x96: {  	s4 =	sld [smem:$0x3FFD];
	_ =	sdelay $0x3  }
0x97: {  	_ =	strace s4  }
0x98: {  	_ =	strace $0x8FFFFFFF  }
0x99: {  	s20 =	sld [smem:$0x3FDB];
	_ =	sdelay $0x1  }
0x9a: {  	s5 =	simm.s32 $_scs_section_size  }
0x9b: {  	s6 =	simm.s32 $_size__tile_overlayer_lowered;
	s7 =	simm.s32 $_tile_overlayer_lowered  }
0x9c: {  	s23 =	simm.s32 $0x1BFF;
	s22 =	sshll.u32 s7, $0x1;
	s4 =	sadd.s32 s5, s20  }
0x9d: {  	s8 =	simm.s32 $0x0;
	s21 =	sshll.u32 s6, $0x1;
	s6 =	sadd.s32 s22, s4  }
0x9e: {  	[timem:s8], [sflag:s23] =	dma.local [hbm:s6], s21  }
0x9f: {  	_ =	swait.ge [sflag:s23], s21  }
0xa0: {  	s5 =	ssub.s32 $0x0, s21;
	[sflag:s23] =	ssyncset.done $0x0  }
0xa1: {  	[sflag:s23] =	ssyncadd.s32 s5;
	_ =	sdelay $0x1  }
0xa2: {  	s24 =	simm.s32 $0x1B8B  }
0xa3: {  	_ =	swait.ge [sflag:s24], $0x1  }
0xa4: {  	[sflag:s24] =	ssyncset.done $0x0  }
0xa5: {  	s25 =	simm.s32 $0x1B8E;
	[sflag:s24] =	ssyncadd.s32 $0xFFFFFFFF  }
0xa6: {  	s26 =	simm.s32 $execute0_lowered;
	[smem:$0x3FD2] =	sst s25  }
0xa7: {  	s5 =	sshll.u32 s26, $0x1;
	_ =	strace $0x80000046;
	[dreg:$0x1] =	wrdreg $0xFFFFFFFF  }
0xa8: {  	s28 =	simm.s32 $_size_execute0_lowered;
	s4 =	sadd.s32 s4, s5;
	[dreg:$0x0] =	wrdreg $0x0  }
0xa9: {  	s5 =	sshll.u32 s28, $0x1;
	[dreg:$0x2] =	wrdreg s4  }
0xaa: {  	[dreg:$0x3] =	wrdreg s5  }
0xab: {  	[dreg:$0x4] =	wrdreg $0xC0  }
0xac: {  	_ =	task [dreg:s8], $0x5FFFF  }
0xad: {  	[dreg:$0x1] =	wrdreg $0xFFFFFFFF  }
0xae: {  	[dreg:$0x0] =	wrdreg $0x60  }
0xaf: {  	[dreg:$0x2] =	wrdreg s2  }
0xb0: {  	[dreg:$0x3] =	wrdreg s19  }
0xb1: {  	[dreg:$0x4] =	wrdreg $0x9  }
0xb2: {  	_ =	task.clear_ibuf [dreg:s8], $0x5FFFF;
	_ =	strace $0x90000046  }
0xb3: {  	s29 =	simm.s32 $0x9;
	_ =	strace $0x80000048  }
0xb4: {  	_ =	swait.ge [sflag:s29], $0x1  }
0xb5: {  	[sflag:s29] =	ssyncadd.s32 $0xFFFFFFFF  }
0xb6: {  	_ =	strace $0x90000048  }
0xb7: {  	_ =	sfence  }
0xb8: {  	s30 =	sld [smem:$0x0];
	_ =	sdelay $0x2  }
0xb9: {  	s31 =	sshll.u32 s1, $0xD;
	s1 =	sshrl.u32 s1, $0x2  }
0xba: {  	s3 =	sand.u32 $0x4000, s31;
	s1 =	sadd.s32 s1, s30  }
0xbb: {  	s0 =	sor.u32 s3, s0;
	s1 =	sshll.u32 s1, $0x11  }
0xbc: {  	s0 =	sor.u32 s1, s0  }
0xbd: {  	s0 =	sadd.s32 $0x8F2B, s0  }
0xbe: {  	[sflag:s0] =	ssyncadd.remote.s32 $0x1  }
0xbf: {  	_ =	sfence.sel $0xFFFF  }
0xc0: {  	[dreg:$0x0] =	wrdreg $0xFFFFFFFF;
	(pc) =	sbr.abs _section_cstart, $3  }
0xc1: {  	[dreg:$0x1] =	wrdreg $0xFFFFFFFF  }
0xc2: {  	_ =	task.clear_ibuf [dreg:s8], $0x2FFFF;
	_ =	strace $0x9FFFFFFF  }
0xc3: {  	(tm) =	ssettm $0x7FFFFFFF  }
tec
execute0_lowered:
.L_overlay_start_1:
0x0: {  	(tag) =	ssettag $0x1  }
0x1: {  	s1 =	rddreg [dreg:$0x0]  }
0x2: {  	s0 =	rddreg [dreg:$0x1];
	s2 =	srdreg.scid;
	s3 =	simm.s32 $0x0  }
0x3: {  	s18 =	stileid.u32;
	s29 =	simm.s32 $0x10180;
	s30 =	simm.s32 $0x1  }
0x4: {  	s31 =	simm.s32 $0x5;
	s28 =	simm.s32 $0x6;
	s2 =	sand.u32 $0x1, s2  }
0x5: {  	[smem:$0x7FF] =	sst s3;
	s5 =	sshll.u32 s18, $0x1;
	s19 =	sshll.u32 s18, $0xA  }
0x6: {  	s7 =	sadd.s32 $0x400, s1;
	s8 =	sadd.s32 $0x500, s1;
	s9 =	sadd.s32 $0x600, s1  }
0x7: {  	s21 =	sshll.u32 s18, $0x12;
	s23 =	sand.u32 $0x3, s18;
	s18 =	simm.s32 $0x14980  }
0x8: {  	s4 =	ssub.s32 $0x2, s2;
	_ =	strace $0x80000047;
	s5 =	sand.u32 $0x6, s5  }
0x9: {  	s20 =	sand.u32 $0x3000, s19;
	s12 =	sor.u32 $0xFFF, s19;
	s22 =	sand.u32 $0x300000, s21  }
0xa: {  	v5 =	vlaneseq.u32;
	s24 =	sshll.u32 s2, $0x9;
	s6 =	sshrl.u32 s4, $0x1;
	s17 =	sor.u32 s2, s5  }
0xb: {  	v0 =	vmul.u32 $0xFFFFFFFF, v5;
	s25 =	sshll.u32 s23, $0x12;
	s11 =	ssub.s32 s4, s6;
	s4 =	sshll.u32 s17, $0x9  }
0xc: {  	s19 =	simm.s32 $0x15180;
	s21 =	simm.s32 $0x16180;
	s13 =	ssub.s32 s12, s4  }
0xd: {  	s5 =	sadd.s32 $0x200, s1;
	s2 =	sshll.u32 s2, $0x11;
	s6 =	sadd.s32 $0x300, s1;
	v1 =	vadd.s32 s13, v0  }
0xe: {  	s10 =	sor.u32 s20, s4;
	s4 =	sadd.s32 $0x100, s1;
	s15 =	sadd.s32 $0xFFFFFFF0, s13;
	v3 =	vshll.u32 v1, $0x4  }
0xf: {  	s11 =	smax.u32 s11, $0x1;
	s12 =	ssub.s32 s12, s24;
	s17 =	sadd.s32 $0xFFFFFFE0, s13;
	v2 =	vadd.s32 s15, v0;
	v4 =	vand.u32 $0x7, v1;
	v6 =	vand.u32 $0xFFFFFF80, v3  }
0x10: {  	s20 =	simm.s32 $0x15980;
	s24 =	simm.s32 $0x17980;
	s14 =	sshll.u32 s10, $0x8;
	v3 =	vadd.s32 s17, v0;
	v10 =	vand.u32 $0x7, v2;
	v7 =	vor.u32 v4, v6  }
0x11: {  	s10 =	sadd.s32 $0x700, s1;
	[dreg:$0x5] =	wrdreg s11;
	s11 =	sshll.u32 s23, $0xA;
	v4 =	vand.u32 $0x7, v5;
	v6 =	vshrl.u32 v5, $0x3;
	v5 =	vor.u32 $0x8, v5  }
0x12: {  	s23 =	simm.s32 $0x17180;
	s14 =	sadd.s32 s14, s0;
	s0 =	sadd.s32 s22, s0;
	v8 =	vperm.xlane v7, v4;
	v9 =	vperm.xlane v7, v5;
	v7 =	vshll.u32 v2, $0x4  }
0x13: {  	s11 =	ssub.s32 s12, s11;
	s22 =	simm.s32 $0x16980;
	s12 =	simm.s32 $0x0;
	v11 =	vshll.u32 v3, $0x4;
	v6 =	vmul.u32 $0x8, v6;
	v7 =	vand.u32 $0xFFFFFF80, v7  }
.Ltmp0:
0x14: {  	s16 =	sadd.s32 $0x1E000, s14;
	s14 =	sadd.s32 $0x1F000, s14;
	v11 =	vand.u32 $0xFFFFFF80, v11;
	v7 =	vor.u32 v10, v7;
	v10 =	vand.u32 $0x7, v3;
	(pc) =	sbr.rel .LBB2_1-.Ltmp0, $4  }
0x15: {  	s0 =	sadd.s32 s25, s0;
	s26 =	sadd.s32 $0xFFFFFFB0, s11;
	[dreg:$0x3] =	wrdreg s16;
	v12 =	vperm.xlane v7, v4;
	v13 =	vperm.xlane v7, v5;
	v10 =	vor.u32 v10, v11  }
0x16: {  	vm0 =	vmmov $0xffff;
	s25 =	simm.s32 $0x4;
	s17 =	simm.s32 $0x7180;
	[dreg:$0x4] =	wrdreg s14;
	v11 =	vperm.xlane v10, v4;
	v14 =	vperm.xlane v10, v5  }
0x17: {  	s14 =	sadd.s32 s2, s0;
	[dreg:$0x6] =	wrdreg s26;
	s16 =	simm.s32 $0x180;
	v7 =	vadd.s32 v6, v8;
	v8 =	vadd.s32 v6, v9;
	v9 =	vadd.s32 v6, v12  }
0x18: {  	s2 =	simm.s32 $0x8180;
	s26 =	simm.s32 $0x2;
	s0 =	simm.s32 $0x3;
	v10 =	vadd.s32 v6, v13;
	v11 =	vadd.s32 v6, v11;
	v12 =	vadd.s32 v6, v14  }
.LBB2_4:
0x19: {  	_ =	swait.ge [sflag:s30], $0x8000  }
0x1a: {  	[sflag:s30] =	ssyncset.done $0x0  }
0x1b: {  	s11 =	rddreg [dreg:$0x3];
	[sflag:s30] =	ssyncadd.s32 $0xFFFF8000  }
0x1c: {  	[hbm4b:s11+s3] =	stream.linear.scatter [tilespmem:s16], [sflag:$0x4], $0x8000, $0x38;
	[tilespmem:$0x18180] =	vst v63  }
0x1d: {  	_ =	swait.ge [sflag:s26], $0x8000  }
0x1e: {  	[sflag:s26] =	ssyncset.done $0x0  }
0x1f: {  	s13 =	rddreg [dreg:$0x4];
	[sflag:s26] =	ssyncadd.s32 $0xFFFF8000  }
0x20: {  	[hbm4b:s13+s3] =	stream.linear.scatter [tilespmem:s2], [sflag:$0x5], $0x8000, $0x38;
	[tilespmem:$0x18180] =	vst v63  }
0x21: {  	_ =	swait.ge [sflag:s25], $0x8000  }
0x22: {  	[sflag:s25] =	ssyncset.done $0x0  }
0x23: {  	[sflag:s25] =	ssyncadd.s32 $0xFFFF8000  }
0x24: {  	_ =	swait.ge [sflag:s31], $0x8000  }
0x25: {  	[sflag:s31] =	ssyncset.done $0x0  }
0x26: {  	[sflag:s31] =	ssyncadd.s32 $0xFFFF8000  }
0x27: {  	_ =	swait.ge [sflag:s28], $0x8000  }
0x28: {  	s12 =	rddreg [dreg:$0x7]  }
0x29: {  	s15 =	rddreg [dreg:$0x5];
	s12 =	sadd.s32 $0x1, s12  }
0x2a: {  	p0 =	sne.s32 s12, s15  }
.Ltmp1:
0x2b: {  	_ = 	snop;
	(pc) =	sbr.rel @!p0 .LBB2_5-.Ltmp1, $3  }
0x2c: {  	_ =	sdelay $0x1  }
0x2d: {  	[sflag:s28] =	ssyncset.done $0x0  }
0x2e: {  	[sflag:s28] =	ssyncadd.s32 $0xFFFF8000  }
.LBB2_1:
0x2f: {  	_ =	sdelay $0x2  }
0x30: {  	[tilespmem:$0x0] =	vst v1  }
0x31: {  	[tilespmem:s16], [sflag:$0x1] =	stream.indirect_vreg.gather [hbm4b:s1+s3], $0x80, v7, vm0, $0xb8;
	[tilespmem:$0x18180] =	vst v63  }
0x32: {  	s11 =	simm.s32 $0x980  }
0x33: {  	[tilespmem:s11], [sflag:$0x1] =	stream.indirect_vreg.gather [hbm4b:s4+s3], $0x80, v7, vm0, $0xb8;
	[tilespmem:$0x18180] =	vst v63  }
0x34: {  	s15 =	simm.s32 $0x1180  }
0x35: {  	[tilespmem:s15], [sflag:$0x1] =	stream.indirect_vreg.gather [hbm4b:s5+s3], $0x80, v7, vm0, $0xb8;
	[tilespmem:$0x18180] =	vst v63  }
0x36: {  	[dreg:$0x7] =	wrdreg s12;
	s12 =	simm.s32 $0x1980  }
0x37: {  	[tilespmem:s12], [sflag:$0x1] =	stream.indirect_vreg.gather [hbm4b:s6+s3], $0x80, v7, vm0, $0xb8;
	[tilespmem:$0x18180] =	vst v63  }
0x38: {  	s13 =	simm.s32 $0x2180  }
0x39: {  	[tilespmem:s13], [sflag:$0x1] =	stream.indirect_vreg.gather [hbm4b:s7+s3], $0x80, v7, vm0, $0xb8;
	[tilespmem:$0x18180] =	vst v63  }
0x3a: {  	s15 =	simm.s32 $0x2980  }
0x3b: {  	[tilespmem:s15], [sflag:$0x1] =	stream.indirect_vreg.gather [hbm4b:s8+s3], $0x80, v7, vm0, $0xb8;
	[tilespmem:$0x18180] =	vst v63  }
0x3c: {  	s12 =	simm.s32 $0x3180  }
0x3d: {  	[tilespmem:s12], [sflag:$0x1] =	stream.indirect_vreg.gather [hbm4b:s9+s3], $0x80, v7, vm0, $0xb8;
	[tilespmem:$0x18180] =	vst v63  }
0x3e: {  	s13 =	simm.s32 $0x3980  }
0x3f: {  	[tilespmem:s13], [sflag:$0x1] =	stream.indirect_vreg.gather [hbm4b:s10+s3], $0x80, v7, vm0, $0xb8;
	[tilespmem:$0x18180] =	vst v63  }
0x40: {  	s15 =	simm.s32 $0x4180  }
0x41: {  	[tilespmem:s15], [sflag:$0x1] =	stream.indirect_vreg.gather [hbm4b:s1+s3], $0x80, v8, vm0, $0xb8;
	[tilespmem:$0x18180] =	vst v63  }
0x42: {  	s12 =	simm.s32 $0x4980  }
0x43: {  	[tilespmem:s12], [sflag:$0x1] =	stream.indirect_vreg.gather [hbm4b:s4+s3], $0x80, v8, vm0, $0xb8;
	[tilespmem:$0x18180] =	vst v63  }
0x44: {  	s13 =	simm.s32 $0x5180  }
0x45: {  	[tilespmem:s13], [sflag:$0x1] =	stream.indirect_vreg.gather [hbm4b:s5+s3], $0x80, v8, vm0, $0xb8;
	[tilespmem:$0x18180] =	vst v63  }
0x46: {  	s15 =	simm.s32 $0x5980  }
0x47: {  	[tilespmem:s15], [sflag:$0x1] =	stream.indirect_vreg.gather [hbm4b:s6+s3], $0x80, v8, vm0, $0xb8;
	[tilespmem:$0x18180] =	vst v63  }
0x48: {  	s12 =	simm.s32 $0x6180  }
0x49: {  	[tilespmem:s12], [sflag:$0x1] =	stream.indirect_vreg.gather [hbm4b:s7+s3], $0x80, v8, vm0, $0xb8;
	[tilespmem:$0x18180] =	vst v63  }
0x4a: {  	s13 =	simm.s32 $0x6980  }
0x4b: {  	[tilespmem:s13], [sflag:$0x1] =	stream.indirect_vreg.gather [hbm4b:s8+s3], $0x80, v8, vm0, $0xb8;
	[tilespmem:$0x18180] =	vst v63  }
0x4c: {  	s15 =	simm.s32 $0x7180  }
0x4d: {  	[tilespmem:s15], [sflag:$0x1] =	stream.indirect_vreg.gather [hbm4b:s9+s3], $0x80, v8, vm0, $0xb8;
	[tilespmem:$0x18180] =	vst v63  }
0x4e: {  	s12 =	simm.s32 $0x7980  }
0x4f: {  	[tilespmem:s12], [sflag:$0x1] =	stream.indirect_vreg.gather [hbm4b:s10+s3], $0x80, v8, vm0, $0xb8;
	[tilespmem:$0x18180] =	vst v63  }
0x50: {  	[tilespmem:$0x80] =	vst v2  }
0x51: {  	[tilespmem:s2], [sflag:$0x2] =	stream.indirect_vreg.gather [hbm4b:s1+s3], $0x80, v9, vm0, $0xb8;
	[tilespmem:$0x18180] =	vst v63  }
0x52: {  	s13 =	simm.s32 $0x8980  }
0x53: {  	[tilespmem:s13], [sflag:$0x2] =	stream.indirect_vreg.gather [hbm4b:s4+s3], $0x80, v9, vm0, $0xb8;
	[tilespmem:$0x18180] =	vst v63  }
0x54: {  	s15 =	simm.s32 $0x9180  }
0x55: {  	[tilespmem:s15], [sflag:$0x2] =	stream.indirect_vreg.gather [hbm4b:s5+s3], $0x80, v9, vm0, $0xb8;
	[tilespmem:$0x18180] =	vst v63  }
0x56: {  	s12 =	simm.s32 $0x9980  }
0x57: {  	[tilespmem:s12], [sflag:$0x2] =	stream.indirect_vreg.gather [hbm4b:s6+s3], $0x80, v9, vm0, $0xb8;
	[tilespmem:$0x18180] =	vst v63  }
0x58: {  	s13 =	simm.s32 $0xA180  }
0x59: {  	[tilespmem:s13], [sflag:$0x2] =	stream.indirect_vreg.gather [hbm4b:s7+s3], $0x80, v9, vm0, $0xb8;
	[tilespmem:$0x18180] =	vst v63  }
0x5a: {  	s15 =	simm.s32 $0xA980  }
0x5b: {  	[tilespmem:s15], [sflag:$0x2] =	stream.indirect_vreg.gather [hbm4b:s8+s3], $0x80, v9, vm0, $0xb8;
	[tilespmem:$0x18180] =	vst v63  }
0x5c: {  	s12 =	simm.s32 $0xB180  }
0x5d: {  	[tilespmem:s12], [sflag:$0x2] =	stream.indirect_vreg.gather [hbm4b:s9+s3], $0x80, v9, vm0, $0xb8;
	[tilespmem:$0x18180] =	vst v63  }
0x5e: {  	s13 =	simm.s32 $0xB980  }
0x5f: {  	[tilespmem:s13], [sflag:$0x2] =	stream.indirect_vreg.gather [hbm4b:s10+s3], $0x80, v9, vm0, $0xb8;
	[tilespmem:$0x18180] =	vst v63  }
0x60: {  	s15 =	simm.s32 $0xC180  }
0x61: {  	[tilespmem:s15], [sflag:$0x2] =	stream.indirect_vreg.gather [hbm4b:s1+s3], $0x80, v10, vm0, $0xb8;
	[tilespmem:$0x18180] =	vst v63  }
0x62: {  	s12 =	simm.s32 $0xC980  }
0x63: {  	[tilespmem:s12], [sflag:$0x2] =	stream.indirect_vreg.gather [hbm4b:s4+s3], $0x80, v10, vm0, $0xb8;
	[tilespmem:$0x18180] =	vst v63  }
0x64: {  	s13 =	simm.s32 $0xD180  }
0x65: {  	[tilespmem:s13], [sflag:$0x2] =	stream.indirect_vreg.gather [hbm4b:s5+s3], $0x80, v10, vm0, $0xb8;
	[tilespmem:$0x18180] =	vst v63  }
0x66: {  	s15 =	simm.s32 $0xD980  }
0x67: {  	[tilespmem:s15], [sflag:$0x2] =	stream.indirect_vreg.gather [hbm4b:s6+s3], $0x80, v10, vm0, $0xb8;
	[tilespmem:$0x18180] =	vst v63  }
0x68: {  	s12 =	simm.s32 $0xE180  }
0x69: {  	[tilespmem:s12], [sflag:$0x2] =	stream.indirect_vreg.gather [hbm4b:s7+s3], $0x80, v10, vm0, $0xb8;
	[tilespmem:$0x18180] =	vst v63  }
0x6a: {  	s13 =	simm.s32 $0xE980  }
0x6b: {  	[tilespmem:s13], [sflag:$0x2] =	stream.indirect_vreg.gather [hbm4b:s8+s3], $0x80, v10, vm0, $0xb8;
	[tilespmem:$0x18180] =	vst v63  }
0x6c: {  	s15 =	simm.s32 $0xF180  }
0x6d: {  	[tilespmem:s15], [sflag:$0x2] =	stream.indirect_vreg.gather [hbm4b:s9+s3], $0x80, v10, vm0, $0xb8;
	[tilespmem:$0x18180] =	vst v63  }
0x6e: {  	s12 =	simm.s32 $0xF980  }
0x6f: {  	[tilespmem:s12], [sflag:$0x2] =	stream.indirect_vreg.gather [hbm4b:s10+s3], $0x80, v10, vm0, $0xb8;
	[tilespmem:$0x18180] =	vst v63  }
0x70: {  	[tilespmem:$0x100] =	vst v3  }
0x71: {  	[tilespmem:s29], [sflag:$0x3] =	stream.indirect_vreg.gather [hbm4b:s1+s3], $0x80, v11, vm0, $0xb8;
	[tilespmem:$0x18180] =	vst v63  }
0x72: {  	s13 =	simm.s32 $0x10980  }
0x73: {  	[tilespmem:s13], [sflag:$0x3] =	stream.indirect_vreg.gather [hbm4b:s4+s3], $0x80, v11, vm0, $0xb8;
	[tilespmem:$0x18180] =	vst v63  }
0x74: {  	s15 =	simm.s32 $0x11180  }
0x75: {  	[tilespmem:s15], [sflag:$0x3] =	stream.indirect_vreg.gather [hbm4b:s5+s3], $0x80, v11, vm0, $0xb8;
	[tilespmem:$0x18180] =	vst v63  }
0x76: {  	s12 =	simm.s32 $0x11980  }
0x77: {  	[tilespmem:s12], [sflag:$0x3] =	stream.indirect_vreg.gather [hbm4b:s6+s3], $0x80, v11, vm0, $0xb8;
	[tilespmem:$0x18180] =	vst v63  }
0x78: {  	s13 =	simm.s32 $0x12180  }
0x79: {  	[tilespmem:s13], [sflag:$0x3] =	stream.indirect_vreg.gather [hbm4b:s7+s3], $0x80, v11, vm0, $0xb8;
	[tilespmem:$0x18180] =	vst v63  }
0x7a: {  	s15 =	simm.s32 $0x12980  }
0x7b: {  	[tilespmem:s15], [sflag:$0x3] =	stream.indirect_vreg.gather [hbm4b:s8+s3], $0x80, v11, vm0, $0xb8;
	[tilespmem:$0x18180] =	vst v63  }
0x7c: {  	s12 =	simm.s32 $0x13180  }
0x7d: {  	[tilespmem:s12], [sflag:$0x3] =	stream.indirect_vreg.gather [hbm4b:s9+s3], $0x80, v11, vm0, $0xb8;
	[tilespmem:$0x18180] =	vst v63  }
0x7e: {  	s13 =	simm.s32 $0x13980  }
0x7f: {  	[tilespmem:s13], [sflag:$0x3] =	stream.indirect_vreg.gather [hbm4b:s10+s3], $0x80, v11, vm0, $0xb8;
	[tilespmem:$0x18180] =	vst v63  }
0x80: {  	s15 =	simm.s32 $0x14180  }
0x81: {  	[tilespmem:s15], [sflag:$0x3] =	stream.indirect_vreg.gather [hbm4b:s1+s3], $0x80, v12, vm0, $0xb8;
	[tilespmem:$0x18180] =	vst v63  }
0x82: {  	_ = 	snop  }
0x83: {  	[tilespmem:s18], [sflag:$0x3] =	stream.indirect_vreg.gather [hbm4b:s4+s3], $0x80, v12, vm0, $0xb8;
	[tilespmem:$0x18180] =	vst v63  }
0x84: {  	_ = 	snop  }
0x85: {  	[tilespmem:s19], [sflag:$0x3] =	stream.indirect_vreg.gather [hbm4b:s5+s3], $0x80, v12, vm0, $0xb8;
	[tilespmem:$0x18180] =	vst v63  }
0x86: {  	_ = 	snop  }
0x87: {  	[tilespmem:s20], [sflag:$0x3] =	stream.indirect_vreg.gather [hbm4b:s6+s3], $0x80, v12, vm0, $0xb8;
	[tilespmem:$0x18180] =	vst v63  }
0x88: {  	_ = 	snop  }
0x89: {  	[tilespmem:s21], [sflag:$0x3] =	stream.indirect_vreg.gather [hbm4b:s7+s3], $0x80, v12, vm0, $0xb8;
	[tilespmem:$0x18180] =	vst v63  }
0x8a: {  	_ = 	snop  }
0x8b: {  	[tilespmem:s22], [sflag:$0x3] =	stream.indirect_vreg.gather [hbm4b:s8+s3], $0x80, v12, vm0, $0xb8;
	[tilespmem:$0x18180] =	vst v63  }
0x8c: {  	_ = 	snop  }
0x8d: {  	[tilespmem:s23], [sflag:$0x3] =	stream.indirect_vreg.gather [hbm4b:s9+s3], $0x80, v12, vm0, $0xb8;
	[tilespmem:$0x18180] =	vst v63  }
0x8e: {  	s11 =	rddreg [dreg:$0x6];
	s12 =	simm.s32 $0x0  }
0x8f: {  	[tilespmem:s24], [sflag:$0x3] =	stream.indirect_vreg.gather [hbm4b:s10+s3], $0x80, v12, vm0, $0xb8;
	[tilespmem:$0x18180] =	vst v63  }
.LBB2_2:
0x90: {  	s13 =	sadd.s32 $0x20, s11  }
0x91: {  	v13 =	vadd.s32 s13, v0  }
0x92: {  	v14 =	vshll.u32 v13, $0x4  }
0x93: {  	v15 =	vand.u32 $0x7, v13;
	v14 =	vand.u32 $0xFFFFFF80, v14  }
0x94: {  	_ =	swait.ge [sflag:s30], $0x8000;
	v14 =	vor.u32 v15, v14  }
0x95: {  	[sflag:s30] =	ssyncset.done $0x0;
	v15 =	vperm.xlane v14, v4  }
0x96: {  	s13 =	sadd.s32 s12, s14;
	[sflag:s30] =	ssyncadd.s32 $0xFFFF8000  }
0x97: {  	[hbm4b:s13+s3] =	stream.linear.scatter [tilespmem:s16], [sflag:$0x4], $0x8000, $0x38;
	v15 =	vadd.s32 v6, v15;
	[tilespmem:$0x18180] =	vst v63  }
0x98: {  	_ =	swait.ge [sflag:s25], $0x8000  }
0x99: {  	[sflag:s25] =	ssyncset.done $0x0  }
0x9a: {  	[sflag:s25] =	ssyncadd.s32 $0xFFFF8000  }
0x9b: {  	[tilespmem:$0x0] =	vst v13  }
0x9c: {  	[tilespmem:s16], [sflag:$0x1] =	stream.indirect_vreg.gather [hbm4b:s1+s3], $0x80, v15, vm0, $0xb8;
	[tilespmem:$0x18180] =	vst v63  }
0x9d: {  	s15 =	simm.s32 $0x980  }
0x9e: {  	[tilespmem:s15], [sflag:$0x1] =	stream.indirect_vreg.gather [hbm4b:s4+s3], $0x80, v15, vm0, $0xb8;
	[tilespmem:$0x18180] =	vst v63  }
0x9f: {  	s15 =	simm.s32 $0x1180  }
0xa0: {  	[tilespmem:s15], [sflag:$0x1] =	stream.indirect_vreg.gather [hbm4b:s5+s3], $0x80, v15, vm0, $0xb8;
	[tilespmem:$0x18180] =	vst v63  }
0xa1: {  	s15 =	simm.s32 $0x1980  }
0xa2: {  	[tilespmem:s15], [sflag:$0x1] =	stream.indirect_vreg.gather [hbm4b:s6+s3], $0x80, v15, vm0, $0xb8;
	[tilespmem:$0x18180] =	vst v63  }
0xa3: {  	s15 =	simm.s32 $0x2180  }
0xa4: {  	[tilespmem:s15], [sflag:$0x1] =	stream.indirect_vreg.gather [hbm4b:s7+s3], $0x80, v15, vm0, $0xb8;
	[tilespmem:$0x18180] =	vst v63  }
0xa5: {  	v13 =	vperm.xlane v14, v5;
	s15 =	simm.s32 $0x2980  }
0xa6: {  	[tilespmem:s15], [sflag:$0x1] =	stream.indirect_vreg.gather [hbm4b:s8+s3], $0x80, v15, vm0, $0xb8;
	[tilespmem:$0x18180] =	vst v63  }
0xa7: {  	v13 =	vadd.s32 v6, v13;
	s15 =	simm.s32 $0x3180  }
0xa8: {  	[tilespmem:s15], [sflag:$0x1] =	stream.indirect_vreg.gather [hbm4b:s9+s3], $0x80, v15, vm0, $0xb8;
	[tilespmem:$0x18180] =	vst v63  }
0xa9: {  	s15 =	simm.s32 $0x3980  }
0xaa: {  	[tilespmem:s15], [sflag:$0x1] =	stream.indirect_vreg.gather [hbm4b:s10+s3], $0x80, v15, vm0, $0xb8;
	[tilespmem:$0x18180] =	vst v63  }
0xab: {  	s15 =	simm.s32 $0x4180  }
0xac: {  	[tilespmem:s15], [sflag:$0x1] =	stream.indirect_vreg.gather [hbm4b:s1+s3], $0x80, v13, vm0, $0xb8;
	[tilespmem:$0x18180] =	vst v63  }
0xad: {  	s15 =	simm.s32 $0x4980  }
0xae: {  	[tilespmem:s15], [sflag:$0x1] =	stream.indirect_vreg.gather [hbm4b:s4+s3], $0x80, v13, vm0, $0xb8;
	[tilespmem:$0x18180] =	vst v63  }
0xaf: {  	s15 =	simm.s32 $0x5180  }
0xb0: {  	[tilespmem:s15], [sflag:$0x1] =	stream.indirect_vreg.gather [hbm4b:s5+s3], $0x80, v13, vm0, $0xb8;
	[tilespmem:$0x18180] =	vst v63  }
0xb1: {  	s15 =	simm.s32 $0x5980  }
0xb2: {  	[tilespmem:s15], [sflag:$0x1] =	stream.indirect_vreg.gather [hbm4b:s6+s3], $0x80, v13, vm0, $0xb8;
	[tilespmem:$0x18180] =	vst v63  }
0xb3: {  	s15 =	simm.s32 $0x6180  }
0xb4: {  	[tilespmem:s15], [sflag:$0x1] =	stream.indirect_vreg.gather [hbm4b:s7+s3], $0x80, v13, vm0, $0xb8;
	[tilespmem:$0x18180] =	vst v63  }
0xb5: {  	s15 =	simm.s32 $0x6980  }
0xb6: {  	[tilespmem:s15], [sflag:$0x1] =	stream.indirect_vreg.gather [hbm4b:s8+s3], $0x80, v13, vm0, $0xb8;
	[tilespmem:$0x18180] =	vst v63  }
0xb7: {  	s15 =	sadd.s32 $0x10, s11  }
0xb8: {  	v14 =	vadd.s32 s15, v0;
	[tilespmem:s17], [sflag:$0x1] =	stream.indirect_vreg.gather [hbm4b:s9+s3], $0x80, v13, vm0, $0xb8;
	[tilespmem:$0x18180] =	vst v63  }
0xb9: {  	s15 =	simm.s32 $0x7980;
	v15 =	vshll.u32 v14, $0x4  }
0xba: {  	v15 =	vand.u32 $0xFFFFFF80, v15;
	[tilespmem:s15], [sflag:$0x1] =	stream.indirect_vreg.gather [hbm4b:s10+s3], $0x80, v13, vm0, $0xb8;
	v13 =	vand.u32 $0x7, v14;
	[tilespmem:$0x18180] =	vst v63  }
0xbb: {  	_ =	swait.ge [sflag:s26], $0x8000;
	v13 =	vor.u32 v13, v15  }
0xbc: {  	[sflag:s26] =	ssyncset.done $0x0;
	v15 =	vperm.xlane v13, v4  }
0xbd: {  	s15 =	sadd.s32 $0x1000, s13;
	[sflag:s26] =	ssyncadd.s32 $0xFFFF8000  }
0xbe: {  	[hbm4b:s15+s3] =	stream.linear.scatter [tilespmem:s2], [sflag:$0x5], $0x8000, $0x38;
	v15 =	vadd.s32 v6, v15;
	[tilespmem:$0x18180] =	vst v63  }
0xbf: {  	_ =	swait.ge [sflag:s31], $0x8000  }
0xc0: {  	[sflag:s31] =	ssyncset.done $0x0  }
0xc1: {  	[sflag:s31] =	ssyncadd.s32 $0xFFFF8000  }
0xc2: {  	[tilespmem:$0x80] =	vst v14  }
0xc3: {  	[tilespmem:s2], [sflag:$0x2] =	stream.indirect_vreg.gather [hbm4b:s1+s3], $0x80, v15, vm0, $0xb8;
	[tilespmem:$0x18180] =	vst v63  }
0xc4: {  	s15 =	simm.s32 $0x8980  }
0xc5: {  	[tilespmem:s15], [sflag:$0x2] =	stream.indirect_vreg.gather [hbm4b:s4+s3], $0x80, v15, vm0, $0xb8;
	[tilespmem:$0x18180] =	vst v63  }
0xc6: {  	s15 =	simm.s32 $0x9180  }
0xc7: {  	[tilespmem:s15], [sflag:$0x2] =	stream.indirect_vreg.gather [hbm4b:s5+s3], $0x80, v15, vm0, $0xb8;
	[tilespmem:$0x18180] =	vst v63  }
0xc8: {  	s15 =	simm.s32 $0x9980  }
0xc9: {  	[tilespmem:s15], [sflag:$0x2] =	stream.indirect_vreg.gather [hbm4b:s6+s3], $0x80, v15, vm0, $0xb8;
	[tilespmem:$0x18180] =	vst v63  }
0xca: {  	s15 =	simm.s32 $0xA180  }
0xcb: {  	[tilespmem:s15], [sflag:$0x2] =	stream.indirect_vreg.gather [hbm4b:s7+s3], $0x80, v15, vm0, $0xb8;
	[tilespmem:$0x18180] =	vst v63  }
0xcc: {  	v13 =	vperm.xlane v13, v5;
	s15 =	simm.s32 $0xA980  }
0xcd: {  	[tilespmem:s15], [sflag:$0x2] =	stream.indirect_vreg.gather [hbm4b:s8+s3], $0x80, v15, vm0, $0xb8;
	[tilespmem:$0x18180] =	vst v63  }
0xce: {  	v13 =	vadd.s32 v6, v13;
	s15 =	simm.s32 $0xB180  }
0xcf: {  	[tilespmem:s15], [sflag:$0x2] =	stream.indirect_vreg.gather [hbm4b:s9+s3], $0x80, v15, vm0, $0xb8;
	[tilespmem:$0x18180] =	vst v63  }
0xd0: {  	s15 =	simm.s32 $0xB980  }
0xd1: {  	[tilespmem:s15], [sflag:$0x2] =	stream.indirect_vreg.gather [hbm4b:s10+s3], $0x80, v15, vm0, $0xb8;
	[tilespmem:$0x18180] =	vst v63  }
0xd2: {  	s15 =	simm.s32 $0xC180  }
0xd3: {  	[tilespmem:s15], [sflag:$0x2] =	stream.indirect_vreg.gather [hbm4b:s1+s3], $0x80, v13, vm0, $0xb8;
	[tilespmem:$0x18180] =	vst v63  }
0xd4: {  	s15 =	simm.s32 $0xC980  }
0xd5: {  	[tilespmem:s15], [sflag:$0x2] =	stream.indirect_vreg.gather [hbm4b:s4+s3], $0x80, v13, vm0, $0xb8;
	[tilespmem:$0x18180] =	vst v63  }
0xd6: {  	s15 =	simm.s32 $0xD180  }
0xd7: {  	[tilespmem:s15], [sflag:$0x2] =	stream.indirect_vreg.gather [hbm4b:s5+s3], $0x80, v13, vm0, $0xb8;
	[tilespmem:$0x18180] =	vst v63  }
0xd8: {  	s15 =	simm.s32 $0xD980  }
0xd9: {  	[tilespmem:s15], [sflag:$0x2] =	stream.indirect_vreg.gather [hbm4b:s6+s3], $0x80, v13, vm0, $0xb8;
	[tilespmem:$0x18180] =	vst v63  }
0xda: {  	s15 =	simm.s32 $0xE180  }
0xdb: {  	[tilespmem:s15], [sflag:$0x2] =	stream.indirect_vreg.gather [hbm4b:s7+s3], $0x80, v13, vm0, $0xb8;
	[tilespmem:$0x18180] =	vst v63  }
0xdc: {  	s15 =	simm.s32 $0xE980  }
0xdd: {  	[tilespmem:s15], [sflag:$0x2] =	stream.indirect_vreg.gather [hbm4b:s8+s3], $0x80, v13, vm0, $0xb8;
	[tilespmem:$0x18180] =	vst v63  }
0xde: {  	s15 =	simm.s32 $0xF180  }
0xdf: {  	[tilespmem:s15], [sflag:$0x2] =	stream.indirect_vreg.gather [hbm4b:s9+s3], $0x80, v13, vm0, $0xb8;
	[tilespmem:$0x18180] =	vst v63  }
0xe0: {  	p0 =	seq.s32 s12, $0x1B000;
	s15 =	simm.s32 $0xF980  }
0xe1: {  	[tilespmem:s15], [sflag:$0x2] =	stream.indirect_vreg.gather [hbm4b:s10+s3], $0x80, v13, vm0, $0xb8;
	[tilespmem:$0x18180] =	vst v63  }
.Ltmp2:
0xe2: {  	_ = 	snop;
	(pc) =	sbr.rel @p0 .LBB2_4-.Ltmp2, $4  }
0xe3: {  	_ =	swait.ge [sflag:s0], $0x8000  }
0xe4: {  	[sflag:s0] =	ssyncset.done $0x0  }
0xe5: {  	s13 =	sadd.s32 $0x2000, s13;
	[sflag:s0] =	ssyncadd.s32 $0xFFFF8000  }
0xe6: {  	[hbm4b:s13+s3] =	stream.linear.scatter [tilespmem:s29], [sflag:$0x6], $0x8000, $0x38;
	[tilespmem:$0x18180] =	vst v63  }
0xe7: {  	v13 =	vadd.s32 s11, v0  }
0xe8: {  	v14 =	vshll.u32 v13, $0x4  }
0xe9: {  	v15 =	vand.u32 $0x7, v13;
	v14 =	vand.u32 $0xFFFFFF80, v14  }
0xea: {  	v14 =	vor.u32 v15, v14  }
0xeb: {  	v15 =	vperm.xlane v14, v4;
	_ =	sdelay $0x1  }
0xec: {  	v15 =	vadd.s32 v6, v15  }
0xed: {  	_ =	swait.ge [sflag:s28], $0x8000  }
0xee: {  	[sflag:s28] =	ssyncset.done $0x0  }
0xef: {  	[sflag:s28] =	ssyncadd.s32 $0xFFFF8000  }
0xf0: {  	[tilespmem:$0x100] =	vst v13  }
0xf1: {  	[tilespmem:s29], [sflag:$0x3] =	stream.indirect_vreg.gather [hbm4b:s1+s3], $0x80, v15, vm0, $0xb8;
	[tilespmem:$0x18180] =	vst v63  }
0xf2: {  	s13 =	simm.s32 $0x10980  }
0xf3: {  	[tilespmem:s13], [sflag:$0x3] =	stream.indirect_vreg.gather [hbm4b:s4+s3], $0x80, v15, vm0, $0xb8;
	[tilespmem:$0x18180] =	vst v63  }
0xf4: {  	s15 =	simm.s32 $0x11180  }
0xf5: {  	[tilespmem:s15], [sflag:$0x3] =	stream.indirect_vreg.gather [hbm4b:s5+s3], $0x80, v15, vm0, $0xb8;
	[tilespmem:$0x18180] =	vst v63  }
0xf6: {  	s15 =	simm.s32 $0x11980  }
0xf7: {  	[tilespmem:s15], [sflag:$0x3] =	stream.indirect_vreg.gather [hbm4b:s6+s3], $0x80, v15, vm0, $0xb8;
	[tilespmem:$0x18180] =	vst v63  }
0xf8: {  	s15 =	simm.s32 $0x12180  }
0xf9: {  	[tilespmem:s15], [sflag:$0x3] =	stream.indirect_vreg.gather [hbm4b:s7+s3], $0x80, v15, vm0, $0xb8;
	[tilespmem:$0x18180] =	vst v63  }
0xfa: {  	v13 =	vperm.xlane v14, v5;
	s15 =	simm.s32 $0x12980  }
0xfb: {  	[tilespmem:s15], [sflag:$0x3] =	stream.indirect_vreg.gather [hbm4b:s8+s3], $0x80, v15, vm0, $0xb8;
	[tilespmem:$0x18180] =	vst v63  }
0xfc: {  	v13 =	vadd.s32 v6, v13;
	s15 =	simm.s32 $0x13180  }
0xfd: {  	[tilespmem:s15], [sflag:$0x3] =	stream.indirect_vreg.gather [hbm4b:s9+s3], $0x80, v15, vm0, $0xb8;
	[tilespmem:$0x18180] =	vst v63  }
0xfe: {  	s15 =	simm.s32 $0x13980  }
0xff: {  	[tilespmem:s15], [sflag:$0x3] =	stream.indirect_vreg.gather [hbm4b:s10+s3], $0x80, v15, vm0, $0xb8;
	[tilespmem:$0x18180] =	vst v63  }
0x100: {  	s15 =	simm.s32 $0x14180  }
0x101: {  	[tilespmem:s15], [sflag:$0x3] =	stream.indirect_vreg.gather [hbm4b:s1+s3], $0x80, v13, vm0, $0xb8;
	[tilespmem:$0x18180] =	vst v63  }
0x102: {  	_ = 	snop  }
0x103: {  	[tilespmem:s18], [sflag:$0x3] =	stream.indirect_vreg.gather [hbm4b:s4+s3], $0x80, v13, vm0, $0xb8;
	[tilespmem:$0x18180] =	vst v63  }
0x104: {  	_ = 	snop  }
0x105: {  	[tilespmem:s19], [sflag:$0x3] =	stream.indirect_vreg.gather [hbm4b:s5+s3], $0x80, v13, vm0, $0xb8;
	[tilespmem:$0x18180] =	vst v63  }
0x106: {  	_ = 	snop  }
0x107: {  	[tilespmem:s20], [sflag:$0x3] =	stream.indirect_vreg.gather [hbm4b:s6+s3], $0x80, v13, vm0, $0xb8;
	[tilespmem:$0x18180] =	vst v63  }
0x108: {  	_ = 	snop  }
0x109: {  	[tilespmem:s21], [sflag:$0x3] =	stream.indirect_vreg.gather [hbm4b:s7+s3], $0x80, v13, vm0, $0xb8;
	[tilespmem:$0x18180] =	vst v63  }
0x10a: {  	_ = 	snop  }
0x10b: {  	[tilespmem:s22], [sflag:$0x3] =	stream.indirect_vreg.gather [hbm4b:s8+s3], $0x80, v13, vm0, $0xb8;
	[tilespmem:$0x18180] =	vst v63  }
.Ltmp3:
0x10c: {  	_ = 	snop;
	(pc) =	sbr.rel .LBB2_2-.Ltmp3, $4  }
0x10d: {  	_ = 	snop  }
0x10e: {  	[tilespmem:s23], [sflag:$0x3] =	stream.indirect_vreg.gather [hbm4b:s9+s3], $0x80, v13, vm0, $0xb8;
	[tilespmem:$0x18180] =	vst v63  }
0x10f: {  	s12 =	sadd.s32 $0x3000, s12;
	s11 =	sadd.s32 $0xFFFFFFD0, s11  }
0x110: {  	[tilespmem:s24], [sflag:$0x3] =	stream.indirect_vreg.gather [hbm4b:s10+s3], $0x80, v13, vm0, $0xb8;
	[tilespmem:$0x18180] =	vst v63  }
.LBB2_5:
0x111: {  	_ =	sfence.sel $0x180000  }
0x112: {  	[bflag:$0x0] =	sbarrier.arrive $0xFFFF  }
0x113: {  	_ =	strace $0x90000047  }
0x114: {  	s0 =	stileid.u32;
	[bflag:$0x2] =	sbarrier.arrive $0xFFFF  }
0x115: {  	p0 =	sne.s32 s0, $0x0;
	s0 =	rddreg [dreg:$0x2]  }
0x116: {  	s0 =	sadd.s32 @!p0 $0x100000, s0  }
0x117: {  	[sflag:s0] =	ssyncadd.tile.s32 @!p0 $0x1;
	_ =	shalt  }
.Lfunc_end2:
_tile_overlayer_lowered:
.L_overlay_start_2:
0x118: {  	(tag) =	ssettag $0x2  }
0x119: {  	s0 =	rddreg [dreg:$0x0];
	s2 =	stileid.u32  }
0x11a: {  	s1 =	rddreg [dreg:$0x1];
	p0 =	sne.s32 s2, $0x0  }
0x11b: {  	s3 =	rddreg [dreg:$0x2];
	[bflag:$0x3] =	sbarrier.arrive $0xFFFF;
	s2 =	simm.s32 @!p0 $0x1C07  }
0x11c: {  	[timem:s3], [sflag:s2] =	dma.local @!p0 [hbm:s0], s1  }
0x11d: {  	s0 =	simm.s32 @!p0 $0x7  }
0x11e: {  	_ =	swait.ge @!p0 [sflag:s0], s1  }
0x11f: {  	s1 =	ssub.s32 @!p0 $0x0, s1;
	[sflag:s0] =	ssyncset.done @!p0 $0x0  }
0x120: {  	[sflag:s0] =	ssyncadd.s32 @!p0 s1  }
0x121: {  	[bflag:$0x3] =	sbarrier.arrive $0xFFFF  }
0x122: {  	_ =	shalt  }

</sc_bundles>
